<compile_context>
chip_gen: v7x
topology: tpu7x:2x2x1
jax: 0.10.2.dev20260603
libtpu: 0.0.44.dev20260713+nightly
codegen_flags: <defaults>
</compile_context>

<pallas_src>
import functools

import jax
import jax.numpy as jnp
from jax import lax
from jax.experimental import pallas as pl
from jax.experimental.pallas import tpu as pltpu
from jax.experimental.pallas import tpu_sc as plsc

N = 10000
D = 128
E = 320000
NC = 2
NS = 16
NW = NC * NS
EPT = E // NW
L = 16


def _linears_body(x_ref, W_ref, be_ref, wcat_ref, bl_ref, bn_ref,
                  nb_ref, base_ref):
    hi = jax.lax.Precision.HIGHEST
    f32 = jnp.float32
    folded = lax.dot_general(W_ref[...], wcat_ref[...],
                             (((0,), (0,)), ((), ())),
                             precision=hi, preferred_element_type=f32)
    res = lax.dot_general(folded, x_ref[...],
                          (((0,), (1,)), ((), ())),
                          precision=hi, preferred_element_type=f32)
    bias = lax.dot_general(be_ref[...], wcat_ref[...],
                           (((1,), (0,)), ((), ())),
                           precision=hi, preferred_element_type=f32)
    bias_loc = bias[0:1, 0:1] + bl_ref[...]
    bias_nb = bias[0:1, 1:2] + bn_ref[...]
    nb_row = res[1:2, :] + bias_nb
    nb_ref[...] = nb_row
    base_ref[...] = res[0:1, :] + bias_loc + nb_row


def _scatter_body(edge_ref, nb_hbm, out_hbm, src_v, dst_v, nb_v, acc_v,
                  sem):
    wid = lax.axis_index("s") * NC + lax.axis_index("c")
    base = wid * EPT
    cp_s = pltpu.async_copy(edge_ref.at[pl.ds(base, EPT)], src_v, sem)
    cp_d = pltpu.async_copy(edge_ref.at[pl.ds(E + base, EPT)], dst_v, sem)
    cp_n = pltpu.async_copy(nb_hbm.at[0, :], nb_v, sem)

    zeros = jnp.zeros((L,), jnp.float32)

    def zbody(i, carry):
        acc_v[pl.ds(i * L, L)] = zeros
        return carry

    lax.fori_loop(0, N // L, zbody, 0, unroll=5)
    cp_s.wait()
    cp_d.wait()
    cp_n.wait()

    def ebody(i, carry):
        s = src_v[pl.ds(i * L, L)]
        d = dst_v[pl.ds(i * L, L)]
        nbs = plsc.load_gather(nb_v, [s])
        nbd = plsc.load_gather(nb_v, [d])
        plsc.addupdate_scatter(acc_v, [s], nbd)
        plsc.addupdate_scatter(acc_v, [d], nbs)
        return carry

    lax.fori_loop(0, EPT // L, ebody, 0, unroll=5)
    pltpu.sync_copy(acc_v, out_hbm.at[wid])


def _reduce_body(part_ref, base_ref, out_ref):
    out_ref[...] = base_ref[...] + jnp.sum(part_ref[...], axis=0,
                                           keepdims=True)


def kernel(x, edge_index, W_emb, b_emb, w_loc, b_loc, w_nb, b_nb):
    f32 = jnp.float32
    wcat = jnp.concatenate([w_loc, w_nb], axis=1)
    be2 = b_emb.reshape(1, D)
    bl2 = b_loc.reshape(1, 1)
    bn2 = b_nb.reshape(1, 1)

    nb_row, base_row = pl.pallas_call(
        _linears_body,
        out_shape=[jax.ShapeDtypeStruct((1, N), f32),
                   jax.ShapeDtypeStruct((1, N), f32)],
    )(x, W_emb, be2, wcat, bl2, bn2)

    mesh = plsc.VectorSubcoreMesh(core_axis_name="c", subcore_axis_name="s",
                                  num_cores=NC, num_subcores=NS)
    partials = pl.kernel(
        _scatter_body,
        out_type=jax.ShapeDtypeStruct((NW, N), f32),
        mesh=mesh,
        scratch_types=[
            pltpu.VMEM((EPT,), jnp.int32),
            pltpu.VMEM((EPT,), jnp.int32),
            pltpu.VMEM((N,), f32),
            pltpu.VMEM((N,), f32),
            pltpu.SemaphoreType.DMA,
        ],
        compiler_params=pltpu.CompilerParams(needs_layout_passes=False),
    )(edge_index.reshape(2 * E), nb_row)

    out_row = pl.pallas_call(
        _reduce_body,
        out_shape=jax.ShapeDtypeStruct((1, N), f32),
    )(partials, base_row)

    return out_row.reshape(N, 1)

# --- scband reference (transcript-rebuilt; emitter-appended) ---
"""Pipeline reference for scband-neighbour-sparse-attention-80161269612942 (READ-ONLY COPY).

The authoritative reference and input builder live on the scoring server;
editing this copy changes nothing except your own understanding.
"""

import jax, jax.numpy as jnp
import numpy as np

N = 10000
D = 128
E = 320000

def setup_inputs(seed: int = 0):
    key = jax.random.key(seed)
    ks = jax.random.split(key, 8)
    x = jax.random.normal(ks[0], (N, D), dtype=jnp.float32)
    edge_index = jax.random.randint(ks[1], (2, E), 0, N, dtype=jnp.int32)
    bound = 1.0 / np.sqrt(D)
    W_emb = jax.random.uniform(ks[2], (D, D), dtype=jnp.float32, minval=-bound, maxval=bound)
    b_emb = jax.random.uniform(ks[3], (D,), dtype=jnp.float32, minval=-bound, maxval=bound)
    w_loc = jax.random.uniform(ks[4], (D, 1), dtype=jnp.float32, minval=-bound, maxval=bound)
    b_loc = jax.random.uniform(ks[5], (1,), dtype=jnp.float32, minval=-bound, maxval=bound)
    w_nb = jax.random.uniform(ks[6], (D, 1), dtype=jnp.float32, minval=-bound, maxval=bound)
    b_nb = jax.random.uniform(ks[7], (1,), dtype=jnp.float32, minval=-bound, maxval=bound)
    return {"x": x, "edge_index": edge_index, "W_emb": W_emb, "b_emb": b_emb, "w_loc": w_loc, "b_loc": b_loc, "w_nb": w_nb, "b_nb": b_nb}


def reference(x, edge_index, W_emb, b_emb, w_loc, b_loc, w_nb, b_nb):
    # embedding = nn.Linear(size, size)(node_tensor)
    embedding = x @ W_emb.T + b_emb
    # local_attention = nn.Linear(size, 1)(embedding)
    local_attention = embedding @ w_loc + b_loc  # (N, 1)
    # neighbour_attention = nn.Linear(size, 1)(embedding)
    neighbour_attention = embedding @ w_nb + b_nb  # (N, 1)
    # adjacency = symmetric binary adjacency with self-loops (depth-1 traversal with with_self=True)
    # newnode = local_attention + A @ neighbour_attention, implemented as scatter-add
    src = edge_index[0]
    dst = edge_index[1]
    agg = jnp.zeros((N, 1), dtype=jnp.float32)
    agg = agg.at[src].add(neighbour_attention[dst])
    agg = agg.at[dst].add(neighbour_attention[src])
    agg = agg + neighbour_attention  # self-loop contribution
    newnode_tensor = local_attention + agg
    return newnode_tensor

if __name__ == "__main__":
    import jax
    _d = setup_inputs()
    print(jax.jit(kernel)(*tuple(_d.values())))

</pallas_src>

<mosaic_0001>
#map = affine_map<(d0, d1) -> (0)>
#map1 = affine_map<(d0, d1) -> (0, 0)>
module attributes {stable_mosaic.version = 14 : i64} {
  func.func @_scatter_body(%arg0: i32, %arg1: i32, %arg2: memref<640000xi32, #tpu.memory_space<hbm>>, %arg3: memref<1x10000xf32, #tpu.memory_space<hbm>>, %arg4: memref<32x10000xf32, #tpu.memory_space<hbm>>, %arg5: memref<10000xi32, #tpu.memory_space<vmem>>, %arg6: memref<10000xi32, #tpu.memory_space<vmem>>, %arg7: memref<10000xf32, #tpu.memory_space<vmem>>, %arg8: memref<10000xf32, #tpu.memory_space<vmem>>, %arg9: memref<!tpu.dma_semaphore, #tpu.memory_space<semaphore_mem>>) attributes {dimension_semantics = [#tpu.dimension_semantics<core_parallel>, #tpu.dimension_semantics<subcore_parallel>], iteration_bounds = array<i64: 2, 16>, scalar_prefetch = 0 : i64, scratch_operands = 5 : i64, tpu.core_type = #tpu.core_type<sc_vector_subcore>, window_params = [{transform_indices = #map}, {transform_indices = #map1}, {transform_indices = #map1}]} {
    %mul3A = arith.constant 2 : i32
    %mul3A_0 = arith.muli %arg1, %mul3A : i32
    %add3A = arith.addi %mul3A_0, %arg0 : i32
    %mul3A_1 = arith.constant 10000 : i32
    %mul3A_2 = arith.muli %add3A, %mul3A_1 : i32
    %dma_start3A = tpu.memref_slice %arg2[%mul3A_2] : memref<640000xi32, #tpu.memory_space<hbm>> -> memref<10000xi32, #tpu.memory_space<hbm>>
    %dma_start3A_3 = tpu.memref_slice %arg2[%mul3A_2] : memref<640000xi32, #tpu.memory_space<hbm>> -> memref<10000xi32, #tpu.memory_space<hbm>>
    tpu.enqueue_dma source(%dma_start3A_3 : memref<10000xi32, #tpu.memory_space<hbm>>) target(%arg5 : memref<10000xi32, #tpu.memory_space<vmem>>) target_semaphore(%arg9 : memref<!tpu.dma_semaphore, #tpu.memory_space<semaphore_mem>>)
    %add3A_4 = arith.constant 320000 : i32
    %add3A_5 = arith.addi %add3A_4, %mul3A_2 : i32
    %dma_start3A_6 = tpu.memref_slice %arg2[%add3A_5] : memref<640000xi32, #tpu.memory_space<hbm>> -> memref<10000xi32, #tpu.memory_space<hbm>>
    %dma_start3A_7 = tpu.memref_slice %arg2[%add3A_5] : memref<640000xi32, #tpu.memory_space<hbm>> -> memref<10000xi32, #tpu.memory_space<hbm>>
    tpu.enqueue_dma source(%dma_start3A_7 : memref<10000xi32, #tpu.memory_space<hbm>>) target(%arg6 : memref<10000xi32, #tpu.memory_space<vmem>>) target_semaphore(%arg9 : memref<!tpu.dma_semaphore, #tpu.memory_space<semaphore_mem>>)
    %dma_start3A_8 = arith.constant 0 : i32
    %dma_start3A_9 = arith.constant 0 : i32
    %dma_start3A_10 = tpu.memref_slice %arg3[%dma_start3A_8, %dma_start3A_9] : memref<1x10000xf32, #tpu.memory_space<hbm>> -> memref<1x10000xf32, #tpu.memory_space<hbm>>
    %dma_start3A_11 = tpu.memref_squeeze %dma_start3A_10 : memref<1x10000xf32, #tpu.memory_space<hbm>> -> memref<10000xf32, #tpu.memory_space<hbm>>
    %dma_start3A_12 = arith.constant 0 : i32
    %dma_start3A_13 = tpu.memref_slice %arg3[%dma_start3A_8, %dma_start3A_12] : memref<1x10000xf32, #tpu.memory_space<hbm>> -> memref<1x10000xf32, #tpu.memory_space<hbm>>
    %dma_start3A_14 = tpu.memref_squeeze %dma_start3A_13 : memref<1x10000xf32, #tpu.memory_space<hbm>> -> memref<10000xf32, #tpu.memory_space<hbm>>
    tpu.enqueue_dma source(%dma_start3A_14 : memref<10000xf32, #tpu.memory_space<hbm>>) target(%arg7 : memref<10000xf32, #tpu.memory_space<vmem>>) target_semaphore(%arg9 : memref<!tpu.dma_semaphore, #tpu.memory_space<semaphore_mem>>)
    %broadcast_in_dim3A = arith.constant 0.000000e+00 : f32
    %broadcast_in_dim3A_15 = vector.broadcast %broadcast_in_dim3A : f32 to vector<16xf32>
    %scan3A = arith.constant 0 : i32
    %scan3A_16 = arith.constant 0 : i32
    %scan3A_17 = arith.constant 625 : i32
    %scan3A_18 = arith.addi %scan3A_16, %scan3A_17 : i32
    %scan3A_19 = arith.constant 5 : i32
    scf.for %scan3A_37 = %scan3A_16 to %scan3A_18 step %scan3A_19  : i32 {
      %mul3A_38 = arith.constant 16 : i32
      %mul3A_39 = arith.muli %scan3A_37, %mul3A_38 : i32
      %swap3A = arith.index_cast %mul3A_39 : i32 to index
      %swap3A_40 = tpu.vector_load %arg8[%swap3A] {strides = array<i32>} : memref<10000xf32, #tpu.memory_space<vmem>>, vector<16xf32>,
      tpu.vector_store %arg8[%swap3A], %broadcast_in_dim3A_15 {strides = array<i32>} : memref<10000xf32, #tpu.memory_space<vmem>>, vector<16xf32>,
      %scan3A_41 = arith.constant 1 : i32
      %scan3A_42 = arith.addi %scan3A_37, %scan3A_41 : i32
      %mul3A_43 = arith.constant 16 : i32
      %mul3A_44 = arith.muli %scan3A_42, %mul3A_43 : i32
      %swap3A_45 = arith.index_cast %mul3A_44 : i32 to index
      %swap3A_46 = tpu.vector_load %arg8[%swap3A_45] {strides = array<i32>} : memref<10000xf32, #tpu.memory_space<vmem>>, vector<16xf32>,
      tpu.vector_store %arg8[%swap3A_45], %broadcast_in_dim3A_15 {strides = array<i32>} : memref<10000xf32, #tpu.memory_space<vmem>>, vector<16xf32>,
      %scan3A_47 = arith.constant 2 : i32
      %scan3A_48 = arith.addi %scan3A_37, %scan3A_47 : i32
      %mul3A_49 = arith.constant 16 : i32
      %mul3A_50 = arith.muli %scan3A_48, %mul3A_49 : i32
      %swap3A_51 = arith.index_cast %mul3A_50 : i32 to index
      %swap3A_52 = tpu.vector_load %arg8[%swap3A_51] {strides = array<i32>} : memref<10000xf32, #tpu.memory_space<vmem>>, vector<16xf32>,
      tpu.vector_store %arg8[%swap3A_51], %broadcast_in_dim3A_15 {strides = array<i32>} : memref<10000xf32, #tpu.memory_space<vmem>>, vector<16xf32>,
      %scan3A_53 = arith.constant 3 : i32
      %scan3A_54 = arith.addi %scan3A_37, %scan3A_53 : i32
      %mul3A_55 = arith.constant 16 : i32
      %mul3A_56 = arith.muli %scan3A_54, %mul3A_55 : i32
      %swap3A_57 = arith.index_cast %mul3A_56 : i32 to index
      %swap3A_58 = tpu.vector_load %arg8[%swap3A_57] {strides = array<i32>} : memref<10000xf32, #tpu.memory_space<vmem>>, vector<16xf32>,
      tpu.vector_store %arg8[%swap3A_57], %broadcast_in_dim3A_15 {strides = array<i32>} : memref<10000xf32, #tpu.memory_space<vmem>>, vector<16xf32>,
      %scan3A_59 = arith.constant 4 : i32
      %scan3A_60 = arith.addi %scan3A_37, %scan3A_59 : i32
      %mul3A_61 = arith.constant 16 : i32
      %mul3A_62 = arith.muli %scan3A_60, %mul3A_61 : i32
      %swap3A_63 = arith.index_cast %mul3A_62 : i32 to index
      %swap3A_64 = tpu.vector_load %arg8[%swap3A_63] {strides = array<i32>} : memref<10000xf32, #tpu.memory_space<vmem>>, vector<16xf32>,
      tpu.vector_store %arg8[%swap3A_63], %broadcast_in_dim3A_15 {strides = array<i32>} : memref<10000xf32, #tpu.memory_space<vmem>>, vector<16xf32>,
    }
    %scan3A_20 = arith.constant 625 : i32
    %dma_wait3A = tpu.memref_slice %arg2[%mul3A_2] : memref<640000xi32, #tpu.memory_space<hbm>> -> memref<10000xi32, #tpu.memory_space<hbm>>
    %dma_wait3A_21 = tpu.memref_slice %arg2[%mul3A_2] : memref<640000xi32, #tpu.memory_space<hbm>> -> memref<10000xi32, #tpu.memory_space<hbm>>
    tpu.wait_dma2 semaphore(%arg9 : memref<!tpu.dma_semaphore, #tpu.memory_space<semaphore_mem>>) src(%dma_wait3A_21 : memref<10000xi32, #tpu.memory_space<hbm>>) dst(%arg5 : memref<10000xi32, #tpu.memory_space<vmem>>)
    %dma_wait3A_22 = tpu.memref_slice %arg2[%add3A_5] : memref<640000xi32, #tpu.memory_space<hbm>> -> memref<10000xi32, #tpu.memory_space<hbm>>
    %dma_wait3A_23 = tpu.memref_slice %arg2[%add3A_5] : memref<640000xi32, #tpu.memory_space<hbm>> -> memref<10000xi32, #tpu.memory_space<hbm>>
    tpu.wait_dma2 semaphore(%arg9 : memref<!tpu.dma_semaphore, #tpu.memory_space<semaphore_mem>>) src(%dma_wait3A_23 : memref<10000xi32, #tpu.memory_space<hbm>>) dst(%arg6 : memref<10000xi32, #tpu.memory_space<vmem>>)
    %dma_wait3A_24 = arith.constant 0 : i32
    %dma_wait3A_25 = arith.constant 0 : i32
    %dma_wait3A_26 = tpu.memref_slice %arg3[%dma_wait3A_24, %dma_wait3A_25] : memref<1x10000xf32, #tpu.memory_space<hbm>> -> memref<1x10000xf32, #tpu.memory_space<hbm>>
    %dma_wait3A_27 = tpu.memref_squeeze %dma_wait3A_26 : memref<1x10000xf32, #tpu.memory_space<hbm>> -> memref<10000xf32, #tpu.memory_space<hbm>>
    %dma_wait3A_28 = arith.constant 0 : i32
    %dma_wait3A_29 = tpu.memref_slice %arg3[%dma_wait3A_24, %dma_wait3A_28] : memref<1x10000xf32, #tpu.memory_space<hbm>> -> memref<1x10000xf32, #tpu.memory_space<hbm>>
    %dma_wait3A_30 = tpu.memref_squeeze %dma_wait3A_29 : memref<1x10000xf32, #tpu.memory_space<hbm>> -> memref<10000xf32, #tpu.memory_space<hbm>>
    tpu.wait_dma2 semaphore(%arg9 : memref<!tpu.dma_semaphore, #tpu.memory_space<semaphore_mem>>) src(%dma_wait3A_30 : memref<10000xf32, #tpu.memory_space<hbm>>) dst(%arg7 : memref<10000xf32, #tpu.memory_space<vmem>>)
    %scan3A_31 = arith.constant 0 : i32
    %scan3A_32 = arith.constant 0 : i32
    %scan3A_33 = arith.constant 625 : i32
    %scan3A_34 = arith.addi %scan3A_32, %scan3A_33 : i32
    %scan3A_35 = arith.constant 5 : i32
    scf.for %scan3A_37 = %scan3A_32 to %scan3A_34 step %scan3A_35  : i32 {
      %mul3A_38 = arith.constant 16 : i32
      %mul3A_39 = arith.muli %scan3A_37, %mul3A_38 : i32
      %get3A = arith.index_cast %mul3A_39 : i32 to index
      %get3A_40 = tpu.vector_load %arg5[%get3A] {strides = array<i32>} : memref<10000xi32, #tpu.memory_space<vmem>>, vector<16xi32>,
      %mul3A_41 = arith.constant 16 : i32
      %mul3A_42 = arith.muli %scan3A_37, %mul3A_41 : i32
      %get3A_43 = arith.index_cast %mul3A_42 : i32 to index
      %get3A_44 = tpu.vector_load %arg6[%get3A_43] {strides = array<i32>} : memref<10000xi32, #tpu.memory_space<vmem>>, vector<16xi32>,
      %gather3A = tpu.vector_load_idx %arg7[%get3A_40] : memref<10000xf32, #tpu.memory_space<vmem>>[vector<16xi32>], vector<16xf32>,
      %gather3A_45 = tpu.vector_load_idx %arg7[%get3A_44] : memref<10000xf32, #tpu.memory_space<vmem>>[vector<16xi32>], vector<16xf32>,
      tpu.vector_store_idx %arg8[%get3A_40], %gather3A_45 {add = true} : memref<10000xf32, #tpu.memory_space<vmem>>[vector<16xi32>], vector<16xf32>,
      tpu.vector_store_idx %arg8[%get3A_44], %gather3A {add = true} : memref<10000xf32, #tpu.memory_space<vmem>>[vector<16xi32>], vector<16xf32>,
      %scan3A_46 = arith.constant 1 : i32
      %scan3A_47 = arith.addi %scan3A_37, %scan3A_46 : i32
      %mul3A_48 = arith.constant 16 : i32
      %mul3A_49 = arith.muli %scan3A_47, %mul3A_48 : i32
      %get3A_50 = arith.index_cast %mul3A_49 : i32 to index
      %get3A_51 = tpu.vector_load %arg5[%get3A_50] {strides = array<i32>} : memref<10000xi32, #tpu.memory_space<vmem>>, vector<16xi32>,
      %mul3A_52 = arith.constant 16 : i32
      %mul3A_53 = arith.muli %scan3A_47, %mul3A_52 : i32
      %get3A_54 = arith.index_cast %mul3A_53 : i32 to index
      %get3A_55 = tpu.vector_load %arg6[%get3A_54] {strides = array<i32>} : memref<10000xi32, #tpu.memory_space<vmem>>, vector<16xi32>,
      %gather3A_56 = tpu.vector_load_idx %arg7[%get3A_51] : memref<10000xf32, #tpu.memory_space<vmem>>[vector<16xi32>], vector<16xf32>,
      %gather3A_57 = tpu.vector_load_idx %arg7[%get3A_55] : memref<10000xf32, #tpu.memory_space<vmem>>[vector<16xi32>], vector<16xf32>,
      tpu.vector_store_idx %arg8[%get3A_51], %gather3A_57 {add = true} : memref<10000xf32, #tpu.memory_space<vmem>>[vector<16xi32>], vector<16xf32>,
      tpu.vector_store_idx %arg8[%get3A_55], %gather3A_56 {add = true} : memref<10000xf32, #tpu.memory_space<vmem>>[vector<16xi32>], vector<16xf32>,
      %scan3A_58 = arith.constant 2 : i32
      %scan3A_59 = arith.addi %scan3A_37, %scan3A_58 : i32
      %mul3A_60 = arith.constant 16 : i32
      %mul3A_61 = arith.muli %scan3A_59, %mul3A_60 : i32
      %get3A_62 = arith.index_cast %mul3A_61 : i32 to index
      %get3A_63 = tpu.vector_load %arg5[%get3A_62] {strides = array<i32>} : memref<10000xi32, #tpu.memory_space<vmem>>, vector<16xi32>,
      %mul3A_64 = arith.constant 16 : i32
      %mul3A_65 = arith.muli %scan3A_59, %mul3A_64 : i32
      %get3A_66 = arith.index_cast %mul3A_65 : i32 to index
      %get3A_67 = tpu.vector_load %arg6[%get3A_66] {strides = array<i32>} : memref<10000xi32, #tpu.memory_space<vmem>>, vector<16xi32>,
      %gather3A_68 = tpu.vector_load_idx %arg7[%get3A_63] : memref<10000xf32, #tpu.memory_space<vmem>>[vector<16xi32>], vector<16xf32>,
      %gather3A_69 = tpu.vector_load_idx %arg7[%get3A_67] : memref<10000xf32, #tpu.memory_space<vmem>>[vector<16xi32>], vector<16xf32>,
      tpu.vector_store_idx %arg8[%get3A_63], %gather3A_69 {add = true} : memref<10000xf32, #tpu.memory_space<vmem>>[vector<16xi32>], vector<16xf32>,
      tpu.vector_store_idx %arg8[%get3A_67], %gather3A_68 {add = true} : memref<10000xf32, #tpu.memory_space<vmem>>[vector<16xi32>], vector<16xf32>,
      %scan3A_70 = arith.constant 3 : i32
      %scan3A_71 = arith.addi %scan3A_37, %scan3A_70 : i32
      %mul3A_72 = arith.constant 16 : i32
      %mul3A_73 = arith.muli %scan3A_71, %mul3A_72 : i32
      %get3A_74 = arith.index_cast %mul3A_73 : i32 to index
      %get3A_75 = tpu.vector_load %arg5[%get3A_74] {strides = array<i32>} : memref<10000xi32, #tpu.memory_space<vmem>>, vector<16xi32>,
      %mul3A_76 = arith.constant 16 : i32
      %mul3A_77 = arith.muli %scan3A_71, %mul3A_76 : i32
      %get3A_78 = arith.index_cast %mul3A_77 : i32 to index
      %get3A_79 = tpu.vector_load %arg6[%get3A_78] {strides = array<i32>} : memref<10000xi32, #tpu.memory_space<vmem>>, vector<16xi32>,
      %gather3A_80 = tpu.vector_load_idx %arg7[%get3A_75] : memref<10000xf32, #tpu.memory_space<vmem>>[vector<16xi32>], vector<16xf32>,
      %gather3A_81 = tpu.vector_load_idx %arg7[%get3A_79] : memref<10000xf32, #tpu.memory_space<vmem>>[vector<16xi32>], vector<16xf32>,
      tpu.vector_store_idx %arg8[%get3A_75], %gather3A_81 {add = true} : memref<10000xf32, #tpu.memory_space<vmem>>[vector<16xi32>], vector<16xf32>,
      tpu.vector_store_idx %arg8[%get3A_79], %gather3A_80 {add = true} : memref<10000xf32, #tpu.memory_space<vmem>>[vector<16xi32>], vector<16xf32>,
      %scan3A_82 = arith.constant 4 : i32
      %scan3A_83 = arith.addi %scan3A_37, %scan3A_82 : i32
      %mul3A_84 = arith.constant 16 : i32
      %mul3A_85 = arith.muli %scan3A_83, %mul3A_84 : i32
      %get3A_86 = arith.index_cast %mul3A_85 : i32 to index
      %get3A_87 = tpu.vector_load %arg5[%get3A_86] {strides = array<i32>} : memref<10000xi32, #tpu.memory_space<vmem>>, vector<16xi32>,
      %mul3A_88 = arith.constant 16 : i32
      %mul3A_89 = arith.muli %scan3A_83, %mul3A_88 : i32
      %get3A_90 = arith.index_cast %mul3A_89 : i32 to index
      %get3A_91 = tpu.vector_load %arg6[%get3A_90] {strides = array<i32>} : memref<10000xi32, #tpu.memory_space<vmem>>, vector<16xi32>,
      %gather3A_92 = tpu.vector_load_idx %arg7[%get3A_87] : memref<10000xf32, #tpu.memory_space<vmem>>[vector<16xi32>], vector<16xf32>,
      %gather3A_93 = tpu.vector_load_idx %arg7[%get3A_91] : memref<10000xf32, #tpu.memory_space<vmem>>[vector<16xi32>], vector<16xf32>,
      tpu.vector_store_idx %arg8[%get3A_87], %gather3A_93 {add = true} : memref<10000xf32, #tpu.memory_space<vmem>>[vector<16xi32>], vector<16xf32>,
      tpu.vector_store_idx %arg8[%get3A_91], %gather3A_92 {add = true} : memref<10000xf32, #tpu.memory_space<vmem>>[vector<16xi32>], vector<16xf32>,
    }
    %scan3A_36 = arith.constant 625 : i32
    "tpu.region"() ({
      %run_scoped3A = tpu.sem_alloc : memref<!tpu.dma_semaphore, #tpu.memory_space<semaphore_mem>>
      %dma_start3A_37 = arith.constant 0 : i32
      %dma_start3A_38 = tpu.memref_slice %arg4[%add3A, %dma_start3A_37] : memref<32x10000xf32, #tpu.memory_space<hbm>> -> memref<1x10000xf32, #tpu.memory_space<hbm>>
      %dma_start3A_39 = tpu.memref_squeeze %dma_start3A_38 : memref<1x10000xf32, #tpu.memory_space<hbm>> -> memref<10000xf32, #tpu.memory_space<hbm>>
      %dma_start3A_40 = arith.constant 0 : i32
      %dma_start3A_41 = tpu.memref_slice %arg4[%add3A, %dma_start3A_40] : memref<32x10000xf32, #tpu.memory_space<hbm>> -> memref<1x10000xf32, #tpu.memory_space<hbm>>
      %dma_start3A_42 = tpu.memref_squeeze %dma_start3A_41 : memref<1x10000xf32, #tpu.memory_space<hbm>> -> memref<10000xf32, #tpu.memory_space<hbm>>
      tpu.enqueue_dma source(%arg8 : memref<10000xf32, #tpu.memory_space<vmem>>) target(%dma_start3A_42 : memref<10000xf32, #tpu.memory_space<hbm>>) target_semaphore(%run_scoped3A : memref<!tpu.dma_semaphore, #tpu.memory_space<semaphore_mem>>)
      %dma_wait3A_43 = arith.constant 0 : i32
      %dma_wait3A_44 = tpu.memref_slice %arg4[%add3A, %dma_wait3A_43] : memref<32x10000xf32, #tpu.memory_space<hbm>> -> memref<1x10000xf32, #tpu.memory_space<hbm>>
      %dma_wait3A_45 = tpu.memref_squeeze %dma_wait3A_44 : memref<1x10000xf32, #tpu.memory_space<hbm>> -> memref<10000xf32, #tpu.memory_space<hbm>>
      %dma_wait3A_46 = arith.constant 0 : i32
      %dma_wait3A_47 = tpu.memref_slice %arg4[%add3A, %dma_wait3A_46] : memref<32x10000xf32, #tpu.memory_space<hbm>> -> memref<1x10000xf32, #tpu.memory_space<hbm>>
      %dma_wait3A_48 = tpu.memref_squeeze %dma_wait3A_47 : memref<1x10000xf32, #tpu.memory_space<hbm>> -> memref<10000xf32, #tpu.memory_space<hbm>>
      tpu.wait_dma2 semaphore(%run_scoped3A : memref<!tpu.dma_semaphore, #tpu.memory_space<semaphore_mem>>) src(%arg8 : memref<10000xf32, #tpu.memory_space<vmem>>) dst(%dma_wait3A_48 : memref<10000xf32, #tpu.memory_space<hbm>>)
      tpu.yield
    }) : () -> ()
    return
  }
}

module attributes {stable_mosaic.version = 14 : i64} {
  func.func @_linears_body(%arg0: memref<10000x128xf32, #tpu.memory_space<vmem>>, %arg1: memref<128x128xf32, #tpu.memory_space<vmem>>, %arg2: memref<1x128xf32, #tpu.memory_space<vmem>>, %arg3: memref<128x2xf32, #tpu.memory_space<vmem>>, %arg4: memref<1x1xf32, #tpu.memory_space<vmem>>, %arg5: memref<1x1xf32, #tpu.memory_space<vmem>>, %arg6: memref<1x10000xf32, #tpu.memory_space<vmem>>, %arg7: memref<1x10000xf32, #tpu.memory_space<vmem>>) attributes {dimension_semantics = [], scalar_prefetch = 0 : i64, scratch_operands = 0 : i64, tpu.core_type = #tpu.core_type<tc>} {
    %get3A = arith.constant 0 : index
    %get3A_0 = arith.constant 0 : index
    %get3A_1 = vector.load %arg1[%get3A, %get3A_0] : memref<128x128xf32, #tpu.memory_space<vmem>>, vector<128x128xf32>
    %get3A_2 = arith.constant 0 : index
    %get3A_3 = arith.constant 0 : index
    %get3A_4 = vector.load %arg3[%get3A_2, %get3A_3] : memref<128x2xf32, #tpu.memory_space<vmem>>, vector<128x2xf32>
    %dot_general3A = arith.constant dense<0.000000e+00> : vector<128x2xf32>
    %dot_general3A_5 = tpu.matmul %get3A_1, %get3A_4, %dot_general3A {dimension_numbers = #tpu.dot_dimension_numbers<[0], [0], [1], [1], [0, 1, 1, 1], [], []>, precision = #tpu.contract_precision<fp32>, transpose_lhs_hint = false} : vector<128x128xf32>, vector<128x2xf32>, vector<128x2xf32> -> vector<128x2xf32>
    %get3A_6 = arith.constant 0 : index
    %get3A_7 = arith.constant 0 : index
    %get3A_8 = vector.load %arg0[%get3A_6, %get3A_7] : memref<10000x128xf32, #tpu.memory_space<vmem>>, vector<10000x128xf32>
    %dot_general3A_9 = arith.constant dense<0.000000e+00> : vector<2x10000xf32>
    %dot_general3A_10 = tpu.matmul %dot_general3A_5, %get3A_8, %dot_general3A_9 {dimension_numbers = #tpu.dot_dimension_numbers<[0], [1], [1], [0], [0, 1, 1, 0], [], []>, precision = #tpu.contract_precision<fp32>, transpose_lhs_hint = false} : vector<128x2xf32>, vector<10000x128xf32>, vector<2x10000xf32> -> vector<2x10000xf32>
    %get3A_11 = arith.constant 0 : index
    %get3A_12 = arith.constant 0 : index
    %get3A_13 = vector.load %arg2[%get3A_11, %get3A_12] : memref<1x128xf32, #tpu.memory_space<vmem>>, vector<1x128xf32>
    %get3A_14 = arith.constant 0 : index
    %get3A_15 = arith.constant 0 : index
    %get3A_16 = vector.load %arg3[%get3A_14, %get3A_15] : memref<128x2xf32, #tpu.memory_space<vmem>>, vector<128x2xf32>
    %dot_general3A_17 = arith.constant dense<0.000000e+00> : vector<1x2xf32>
    %dot_general3A_18 = tpu.matmul %get3A_13, %get3A_16, %dot_general3A_17 {dimension_numbers = #tpu.dot_dimension_numbers<[1], [0], [0], [1], [0, 0, 1, 1], [], []>, precision = #tpu.contract_precision<fp32>, transpose_lhs_hint = false} : vector<1x128xf32>, vector<128x2xf32>, vector<1x2xf32> -> vector<1x2xf32>
    %slice3A = vector.extract_strided_slice %dot_general3A_18 {offsets = [0, 0], sizes = [1, 1], strides = [1, 1]} : vector<1x2xf32> to vector<1x1xf32>
    %get3A_19 = arith.constant 0 : index
    %get3A_20 = arith.constant 0 : index
    %get3A_21 = vector.load %arg4[%get3A_19, %get3A_20] : memref<1x1xf32, #tpu.memory_space<vmem>>, vector<1x1xf32>
    %add3A = arith.addf %slice3A, %get3A_21 : vector<1x1xf32>
    %slice3A_22 = vector.extract_strided_slice %dot_general3A_18 {offsets = [0, 1], sizes = [1, 1], strides = [1, 1]} : vector<1x2xf32> to vector<1x1xf32>
    %get3A_23 = arith.constant 0 : index
    %get3A_24 = arith.constant 0 : index
    %get3A_25 = vector.load %arg5[%get3A_23, %get3A_24] : memref<1x1xf32, #tpu.memory_space<vmem>>, vector<1x1xf32>
    %add3A_26 = arith.addf %slice3A_22, %get3A_25 : vector<1x1xf32>
    %slice3A_27 = vector.extract_strided_slice %dot_general3A_10 {offsets = [1, 0], sizes = [1, 10000], strides = [1, 1]} : vector<2x10000xf32> to vector<1x10000xf32>
    %add3A_28 = vector.broadcast %add3A_26 : vector<1x1xf32> to vector<1x10000xf32>
    %add3A_29 = arith.addf %slice3A_27, %add3A_28 : vector<1x10000xf32>
    %swap3A = arith.constant 0 : index
    %swap3A_30 = arith.constant 0 : index
    %swap3A_31 = vector.load %arg6[%swap3A, %swap3A_30] : memref<1x10000xf32, #tpu.memory_space<vmem>>, vector<1x10000xf32>
    tpu.vector_store %arg6[%swap3A, %swap3A_30], %add3A_29 {strides = array<i32>} : memref<1x10000xf32, #tpu.memory_space<vmem>>, vector<1x10000xf32>,
    %slice3A_32 = vector.extract_strided_slice %dot_general3A_10 {offsets = [0, 0], sizes = [1, 10000], strides = [1, 1]} : vector<2x10000xf32> to vector<1x10000xf32>
    %add3A_33 = vector.broadcast %add3A : vector<1x1xf32> to vector<1x10000xf32>
    %add3A_34 = arith.addf %slice3A_32, %add3A_33 : vector<1x10000xf32>
    %add3A_35 = arith.addf %add3A_34, %add3A_29 : vector<1x10000xf32>
    %swap3A_36 = arith.constant 0 : index
    %swap3A_37 = arith.constant 0 : index
    %swap3A_38 = vector.load %arg7[%swap3A_36, %swap3A_37] : memref<1x10000xf32, #tpu.memory_space<vmem>>, vector<1x10000xf32>
    tpu.vector_store %arg7[%swap3A_36, %swap3A_37], %add3A_35 {strides = array<i32>} : memref<1x10000xf32, #tpu.memory_space<vmem>>, vector<1x10000xf32>,
    return
  }
}

module attributes {stable_mosaic.version = 14 : i64} {
  func.func @_reduce_body(%arg0: memref<32x10000xf32, #tpu.memory_space<vmem>>, %arg1: memref<1x10000xf32, #tpu.memory_space<vmem>>, %arg2: memref<1x10000xf32, #tpu.memory_space<vmem>>) attributes {dimension_semantics = [], scalar_prefetch = 0 : i64, scratch_operands = 0 : i64, tpu.core_type = #tpu.core_type<tc>} {
    %get3A = arith.constant 0 : index
    %get3A_0 = arith.constant 0 : index
    %get3A_1 = vector.load %arg1[%get3A, %get3A_0] : memref<1x10000xf32, #tpu.memory_space<vmem>>, vector<1x10000xf32>
    %get3A_2 = arith.constant 0 : index
    %get3A_3 = arith.constant 0 : index
    %get3A_4 = vector.load %arg0[%get3A_2, %get3A_3] : memref<32x10000xf32, #tpu.memory_space<vmem>>, vector<32x10000xf32>
    %reduce_sum3A = arith.constant dense<0.000000e+00> : vector<10000xf32>
    %reduce_sum3A_5 = vector.multi_reduction <add>, %get3A_4, %reduce_sum3A [0] : vector<32x10000xf32> to vector<10000xf32>
    %broadcast_in_dim3A = vector.shape_cast %reduce_sum3A_5 : vector<10000xf32> to vector<1x10000xf32>
    %add3A = arith.addf %get3A_1, %broadcast_in_dim3A : vector<1x10000xf32>
    %swap3A = arith.constant 0 : index
    %swap3A_6 = arith.constant 0 : index
    %swap3A_7 = vector.load %arg2[%swap3A, %swap3A_6] : memref<1x10000xf32, #tpu.memory_space<vmem>>, vector<1x10000xf32>
    tpu.vector_store %arg2[%swap3A, %swap3A_6], %add3A {strides = array<i32>} : memref<1x10000xf32, #tpu.memory_space<vmem>>, vector<1x10000xf32>,
    return
  }
}

</mosaic_0001>

<sc_bundles>
// kernel: kernel.5.cloned.1.call-start
scs
__scs_entry_jumppad:
0x0: {  	(pc) =	sbr.rel $0x88, $3  }
0x1: {  	(tag) =	ssettag $0x0;
	lr =	simm.s32 $0x1  }
0x2: {  	[smem:$0x3F99] =	sst lr;
	_ =	strace $0xD0000000  }
0x3: {  	_ = 	snop  }
0x4: {  	_ = 	snop  }
0x5: {  	_ = 	snop  }
0x6: {  	_ = 	snop  }
0x7: {  	_ = 	snop  }
__scs_overlays_trampoline_lowered:
0x8: {  	[smem:$0x3FA8] =	sst s0  }
0x9: {  	[smem:$0x3FA9] =	sst s1  }
0xa: {  	[smem:$0x3FAA] =	sst s2  }
0xb: {  	[smem:$0x3FAB] =	sst s3  }
0xc: {  	[smem:$0x3FAC] =	sst s4  }
0xd: {  	[smem:$0x3FAD] =	sst s5  }
0xe: {  	[smem:$0x3FAE] =	sst s6  }
0xf: {  	[smem:$0x3FAF] =	sst s7  }
0x10: {  	[smem:$0x3FB0] =	sst s8  }
0x11: {  	[smem:$0x3FB1] =	sst s9;
	s0 =	simm.s32 @!p0 $0x0  }
0x12: {  	s1 =	sld [smem:$0x3F97];
	s0 =	simm.s32 @p0 $0x1  }
0x13: {  	[smem:$0x3FB2] =	sst s0;
	s0 =	simm.s32 @!p1 $0x0  }
0x14: {  	s2 =	sld [smem:$0x3F96];
	s0 =	simm.s32 @p1 $0x1  }
0x15: {  	[smem:$0x3FB3] =	sst s0;
	s0 =	simm.s32 @!p2 $0x0  }
0x16: {  	s3 =	sld [smem:$0x3FDB];
	s0 =	simm.s32 @p2 $0x1  }
0x17: {  	s4 =	simm.s32 $0x1BF5;
	[smem:$0x3FB5] =	sst s0  }
0x18: {  	s0 =	sld [smem:$0x3F98];
	_ =	swait.ge [sflag:s4], $0x0  }
0x19: {  	s7 =	sld [smem:$0x3F99]  }
0x1a: {  	s8 =	sadd.s32 $0xFFFFE003, lr  }
0x1b: {  	s9 =	sadd.s32 $0xFFFFFEF7, lr;
	s5 =	simm.s32 $0xFFFFFFFF;
	p2 =	slt.u32 s8, $0xFFFFF086  }
0x1c: {  	p1 =	slt.u32 s9, $0xF7A;
	s5 =	simm.s32 @!p2 $0x0  }
0x1d: {  	s5 =	simm.s32 @p1 $0x1;
	p0 =	seq.s32 s7, s2  }
0x1e: {  	s7 =	smul.u32 @!p0 $0xF7A, s2;
	p2 =	seq.s32 @!p0 s5, $0x0  }
0x1f: {  	s9 =	smul.u32 $0xF7A, s1;
	s8 =	simm.s32 @!p0 $0x1BF5;
	p2 =	por !p2, p0  }
0x20: {  	[sflag:s8] =	ssyncset.s32 @!p0 $0xFFFFF086;
	s6 =	sadd.s32 @!p0 s3, s7;
	s7 =	simm.s32 @!p0 $0x108  }
0x21: {  	s3 =	sadd.s32 s3, s9;
	s6 =	sadd.s32 @!p0 $0x88, s6;
	s7 =	simm.s32 @p2 $0x1082  }
0x22: {  	[simem:s7], [sflag:s8] =	dma.local @!p0 [hbm:s6], $0xF7A  }
0x23: {  	s9 =	sor.u32 $0xD0000000, s2;
	s6 =	simm.s32 $0x108;
	_ =	swait.ge @!p0 [sflag:s8], $0x0  }
0x24: {  	s3 =	sadd.s32 $0x88, s3;
	s6 =	simm.s32 @!p1 $0x1082;
	[sflag:s4] =	ssyncset.s32 $0xFFFFF086  }
0x25: {  	[simem:s6], [sflag:s4] =	dma.local [hbm:s3], $0xF7A  }
0x26: {  	[smem:$0x3F99] =	sst s1;
	(tag) =	ssettag s2;
	_ =	strace s9  }
0x27: {  	s1 =	sld [smem:$0x3FA9]  }
0x28: {  	s2 =	sld [smem:$0x3FAA]  }
0x29: {  	s4 =	sld [smem:$0x3FAC]  }
0x2a: {  	p0 =	seq.s32 s5, $0x0;
	s5 =	sld [smem:$0x3FAD]  }
0x2b: {  	s6 =	sld [smem:$0x3FAE]  }
0x2c: {  	s7 =	sld [smem:$0x3FAF]  }
0x2d: {  	s3 =	simm.s32 $0x108;
	s8 =	sld [smem:$0x3FB0]  }
0x2e: {  	s3 =	simm.s32 @!p0 $0x1082;
	s9 =	sld [smem:$0x3FB1]  }
0x2f: {  	lr =	sadd.s32 s0, s3;
	s0 =	sld [smem:$0x3FA8]  }
0x30: {  	s3 =	sld [smem:$0x3FAB]  }
0x31: {  	[smem:$0x3FB4] =	sst s10  }
0x32: {  	s10 =	sld [smem:$0x3FB2];
	_ =	sdelay $0x3  }
0x33: {  	p0 =	seq.s32 s10, $0x1;
	s10 =	sld [smem:$0x3FB4];
	_ =	sdelay $0x3  }
0x34: {  	[smem:$0x3FB4] =	sst s10  }
0x35: {  	s10 =	sld [smem:$0x3FB3];
	_ =	sdelay $0x3  }
0x36: {  	p1 =	seq.s32 s10, $0x1;
	s10 =	sld [smem:$0x3FB4];
	_ =	sdelay $0x3  }
0x37: {  	[smem:$0x3FB4] =	sst s10  }
0x38: {  	s10 =	sld [smem:$0x3FB5]  }
0x39: {  	_ = 	snop;
	(pc) =	sbr.ind lr, $3  }
0x3a: {  	_ = 	snop  }
0x3b: {  	_ = 	snop  }
0x3c: {  	p2 =	seq.s32 s10, $0x1;
	s10 =	sld [smem:$0x3FB4]  }
0x3d: {  	_ =	shalt  }
0x3e: {  	_ =	shalt  }
0x3f: {  	_ =	shalt  }
0x40: {  	_ =	shalt  }
0x41: {  	_ =	shalt  }
0x42: {  	_ =	shalt  }
0x43: {  	_ =	shalt  }
0x44: {  	_ =	shalt  }
0x45: {  	_ =	shalt  }
0x46: {  	_ =	shalt  }
0x47: {  	_ =	shalt  }
0x48: {  	_ =	shalt  }
0x49: {  	_ =	shalt  }
0x4a: {  	_ =	shalt  }
0x4b: {  	_ =	shalt  }
0x4c: {  	_ =	shalt  }
0x4d: {  	_ =	shalt  }
0x4e: {  	_ =	shalt  }
0x4f: {  	_ =	shalt  }
0x50: {  	_ =	shalt  }
0x51: {  	_ =	shalt  }
0x52: {  	_ =	shalt  }
0x53: {  	_ =	shalt  }
0x54: {  	_ =	shalt  }
0x55: {  	_ =	shalt  }
0x56: {  	_ =	shalt  }
0x57: {  	_ =	shalt  }
0x58: {  	_ =	shalt  }
0x59: {  	_ =	shalt  }
0x5a: {  	_ =	shalt  }
0x5b: {  	_ =	shalt  }
0x5c: {  	_ =	shalt  }
0x5d: {  	_ =	shalt  }
0x5e: {  	_ =	shalt  }
0x5f: {  	_ =	shalt  }
0x60: {  	_ =	shalt  }
0x61: {  	_ =	shalt  }
0x62: {  	_ =	shalt  }
0x63: {  	_ =	shalt  }
0x64: {  	_ =	shalt  }
0x65: {  	_ =	shalt  }
0x66: {  	_ =	shalt  }
0x67: {  	_ =	shalt  }
0x68: {  	_ =	shalt  }
0x69: {  	_ =	shalt  }
0x6a: {  	_ =	shalt  }
0x6b: {  	_ =	shalt  }
0x6c: {  	_ =	shalt  }
0x6d: {  	_ =	shalt  }
0x6e: {  	_ =	shalt  }
0x6f: {  	_ =	shalt  }
0x70: {  	_ =	shalt  }
0x71: {  	_ =	shalt  }
0x72: {  	_ =	shalt  }
0x73: {  	_ =	shalt  }
0x74: {  	_ =	shalt  }
0x75: {  	_ =	shalt  }
0x76: {  	_ =	shalt  }
0x77: {  	_ =	shalt  }
0x78: {  	_ =	shalt  }
0x79: {  	_ =	shalt  }
0x7a: {  	_ =	shalt  }
0x7b: {  	_ =	shalt  }
0x7c: {  	_ =	shalt  }
0x7d: {  	_ =	shalt  }
0x7e: {  	_ =	shalt  }
0x7f: {  	_ =	shalt  }
0x80: {  	_ =	shalt  }
0x81: {  	_ =	shalt  }
0x82: {  	_ =	shalt  }
0x83: {  	_ =	shalt  }
0x84: {  	_ =	shalt  }
0x85: {  	_ =	shalt  }
0x86: {  	_ =	shalt  }
0x87: {  	_ =	shalt  }
.Lfunc_end0:
.L_simem_size_0:
called_computation_lowered:
.L_overlay_start_0:
0x88: {  	s2 =	sld [smem:$0x3FD9]  }
0x89: {  	s3 =	sld [smem:$0x3FFE];
	_ =	sdelay $0x1  }
0x8a: {  	s1 =	srdreg.scid  }
0x8b: {  	s0 =	sand.u32 $0x1, s1  }
0x8c: {  	s17 =	sshll.u32 s0, $0xA;
	s2 =	sadd.s32 s3, s2  }
0x8d: {  	s2 =	sadd.s32 s2, s17  }
0x8e: {  	[smem:$0x3FC0] =	sst s2  }
0x8f: {  	_ = 	snop  }
0x90: {  	s2 =	sld [smem:$0x3FD0];
	(tm) =	ssettm $0x1  }
0x91: {  	s18 =	sld [smem:$0x3FFB];
	_ =	sdelay $0x3  }
0x92: {  	_ =	strace s18  }
0x93: {  	s3 =	sld [smem:$0x3FFC];
	_ =	sdelay $0x3  }
0x94: {  	_ =	strace s3  }
0x95: {  	s3 =	sld [smem:$0x3FFD];
	_ =	sdelay $0x3  }
0x96: {  	_ =	strace s3  }
0x97: {  	_ =	strace $0x8FFFFFFF  }
0x98: {  	s19 =	sld [smem:$0x3FDB];
	_ =	sdelay $0x1  }
0x99: {  	s4 =	simm.s32 $_scs_section_size  }
0x9a: {  	s5 =	simm.s32 $_size__tile_overlayer_lowered;
	s6 =	simm.s32 $_tile_overlayer_lowered  }
0x9b: {  	s22 =	simm.s32 $0x1BFF;
	s21 =	sshll.u32 s6, $0x1;
	s3 =	sadd.s32 s4, s19  }
0x9c: {  	s7 =	simm.s32 $0x0;
	s20 =	sshll.u32 s5, $0x1;
	s5 =	sadd.s32 s21, s3  }
0x9d: {  	[timem:s7], [sflag:s22] =	dma.local [hbm:s5], s20  }
0x9e: {  	_ =	swait.ge [sflag:s22], s20  }
0x9f: {  	s4 =	ssub.s32 $0x0, s20;
	[sflag:s22] =	ssyncset.done $0x0  }
0xa0: {  	[sflag:s22] =	ssyncadd.s32 s4;
	_ =	sdelay $0x1  }
0xa1: {  	s23 =	simm.s32 $0x1B8B  }
0xa2: {  	_ =	swait.ge [sflag:s23], $0x1  }
0xa3: {  	[sflag:s23] =	ssyncset.done $0x0  }
0xa4: {  	s25 =	simm.s32 $0x1B8E;
	s24 =	sld [smem:$0x3FFE];
	[sflag:s23] =	ssyncadd.s32 $0xFFFFFFFF  }
0xa5: {  	s26 =	simm.s32 $execute0_lowered;
	[smem:$0x3FD2] =	sst s25  }
0xa6: {  	s5 =	sshll.u32 s26, $0x1;
	_ =	strace $0x80000046;
	[dreg:$0x1] =	wrdreg $0xFFFFFFFF  }
0xa7: {  	s28 =	simm.s32 $_size_execute0_lowered;
	s3 =	sadd.s32 s3, s5;
	[dreg:$0x0] =	wrdreg $0x0  }
0xa8: {  	s5 =	sshll.u32 s28, $0x1;
	[dreg:$0x2] =	wrdreg s3  }
0xa9: {  	[dreg:$0x3] =	wrdreg s5  }
0xaa: {  	[dreg:$0x4] =	wrdreg $0xC0  }
0xab: {  	_ =	task [dreg:s7], $0x5FFFF  }
0xac: {  	[dreg:$0x1] =	wrdreg $0xFFFFFFFF  }
0xad: {  	[dreg:$0x0] =	wrdreg $0x60  }
0xae: {  	[dreg:$0x2] =	wrdreg s24  }
0xaf: {  	[dreg:$0x3] =	wrdreg s2  }
0xb0: {  	[dreg:$0x4] =	wrdreg $0x9  }
0xb1: {  	_ =	task.clear_ibuf [dreg:s7], $0x5FFFF;
	_ =	strace $0x90000046  }
0xb2: {  	s29 =	simm.s32 $0x9;
	_ =	strace $0x80000048  }
0xb3: {  	_ =	swait.ge [sflag:s29], $0x1  }
0xb4: {  	[sflag:s29] =	ssyncadd.s32 $0xFFFFFFFF  }
0xb5: {  	_ =	strace $0x90000048  }
0xb6: {  	_ =	sfence  }
0xb7: {  	s30 =	sld [smem:$0x0];
	_ =	sdelay $0x2  }
0xb8: {  	s31 =	sshll.u32 s1, $0xD;
	s1 =	sshrl.u32 s1, $0x2  }
0xb9: {  	s3 =	sand.u32 $0x4000, s31;
	s1 =	sadd.s32 s1, s30  }
0xba: {  	s0 =	sor.u32 s3, s0;
	s1 =	sshll.u32 s1, $0x11  }
0xbb: {  	s0 =	sor.u32 s1, s0  }
0xbc: {  	s0 =	sadd.s32 $0x8F2B, s0  }
0xbd: {  	[sflag:s0] =	ssyncadd.remote.s32 $0x1  }
0xbe: {  	_ =	sfence.sel $0xFFFF  }
0xbf: {  	[dreg:$0x0] =	wrdreg $0xFFFFFFFF;
	(pc) =	sbr.abs _section_cstart, $3  }
0xc0: {  	[dreg:$0x1] =	wrdreg $0xFFFFFFFF  }
0xc1: {  	_ =	task.clear_ibuf [dreg:s7], $0x2FFFF;
	_ =	strace $0x9FFFFFFF  }
0xc2: {  	(tm) =	ssettm $0x7FFFFFFF  }
0xc3: {  	_ =	shalt  }
tec
execute0_lowered:
.L_overlay_start_1:
0x0: {  	(tag) =	ssettag $0x1  }
0x1: {  	s4 =	rddreg [dreg:$0x0]  }
0x2: {  	s1 =	srdreg.scid;
	s0 =	stileid.u32  }
0x3: {  	s2 =	rddreg [dreg:$0x1];
	s9 =	simm.s32 $0x4F00;
	s10 =	simm.s32 $0x1  }
0x4: {  	s11 =	simm.s32 $0x7680;
	s12 =	simm.s32 $0x80;
	s13 =	simm.s32 $0x400  }
0x5: {  	s14 =	simm.s32 $0x2;
	s15 =	simm.s32 $0x0;
	s5 =	sand.u32 $0x1, s1  }
0x6: {  	s3 =	sshll.u32 s0, $0x1;
	s1 =	rddreg [dreg:$0x2];
	s7 =	sshrl.u32 s0, $0x2  }
0x7: {  	s6 =	sor.u32 s5, s3;
	s3 =	simm.s32 $0x0;
	s7 =	smul.u32 $0x13C00, s7  }
0x8: {  	s5 =	ssub.s32 $0x2, s5;
	s8 =	sshll.u32 s6, $0x7;
	s6 =	smul.u32 $0x2710, s6  }
0x9: {  	[smem:$0x7FF] =	sst s3;
	s31 =	sshrl.u32 s5, $0x1;
	s8 =	sand.u32 $0x380, s8  }
0xa: {  	_ =	strace $0x80000047;
	s7 =	sor.u32 s7, s8;
	s6 =	sshrl.u32 s6, $0x3  }
0xb: {  	s8 =	ssub.s32 s5, s31;
	s7 =	sshrl.u32 s7, $0x3;
	s6 =	sadd.s32 s6, s4  }
0xc: {  	s7 =	sadd.s32 s7, s4;
	s4 =	sadd.s32 $0x1200, s6;
	s5 =	sadd.s32 $0xAE40, s6  }
0xd: {  	v0 =	vimm.f32 $0.0e+00;
	s6 =	sadd.s32 $0x14C00, s7;
	s7 =	smax.u32 s8, $0x1;
	s8 =	simm.s32 $0x2780  }
.LBB2_1:
0xe: {  	[tilespmem:s3], [sflag:$0x1] =	stream.linear.gather [hbm4b:s4+s3], $0x2710, $0x38;
	[tilespmem:$0x9E00] =	vst v63  }
0xf: {  	_ = 	snop  }
0x10: {  	[tilespmem:s8], [sflag:$0x1] =	stream.linear.gather [hbm4b:s5+s3], $0x2710, $0x38;
	[tilespmem:$0x9E00] =	vst v63  }
0x11: {  	s16 =	simm.s32 $0x76A0  }
0x12: {  	[tilespmem:s9], [sflag:$0x1] =	stream.linear.gather [hbm4b:s2+s3], $0x2780, $0x38;
	[tilespmem:$0x9E00] =	vst v63  }
0x13: {  	[tilespmem:s16+$0xFFFFFFE0] =	vst v0  }
0x14: {  	[tilespmem:s16+$0x20] =	vst v0  }
0x15: {  	[tilespmem:s16+$0x10] =	vst v0  }
0x16: {  	s17 =	simm.s32 $0x0;
	[tilespmem:s16+$0x0] =	vst v0  }
.LBB2_2:
0x17: {  	s17 =	sadd.s32 $0x5, s17  }
0x18: {  	[tilespmem:s16+$0xFFFFFFF0] =	vst v0;
	s16 =	sadd.s32 $0x50, s16;
	p0 =	slt.u32 s17, $0x26C  }
.Ltmp0:
0x19: {  	[tilespmem:s16+$0xFFFFFFE0] =	vst v0;
	(pc) =	sbr.rel @p0 .LBB2_2-.Ltmp0, $4  }
0x1a: {  	_ = 	snop  }
0x1b: {  	[tilespmem:s16+$0x20] =	vst v0  }
0x1c: {  	[tilespmem:s16+$0x10] =	vst v0  }
0x1d: {  	[tilespmem:s16+$0x0] =	vst v0  }
0x1e: {  	[tilespmem:s16+$0xFFFFFFF0] =	vst v0  }
0x1f: {  	_ =	swait.ge [sflag:s10], $0x2710  }
0x20: {  	[sflag:s10] =	ssyncset.done $0x0  }
0x21: {  	[sflag:s10] =	ssyncadd.s32 $0xFFFFD8F0  }
0x22: {  	_ =	swait.ge [sflag:s10], $0x2710  }
0x23: {  	[sflag:s10] =	ssyncset.done $0x0  }
0x24: {  	[sflag:s10] =	ssyncadd.s32 $0xFFFFD8F0  }
0x25: {  	_ =	swait.ge [sflag:s10], $0x2780  }
0x26: {  	s16 =	simm.s32 $0xFFFFFFFB;
	[sflag:s10] =	ssyncset.done $0x0  }
0x27: {  	s17 =	simm.s32 $0x20;
	s18 =	simm.s32 $0x27A0;
	[sflag:s10] =	ssyncadd.s32 $0xFFFFD880  }
.LBB2_4:
0x28: {  	v1 =	vld [tilespmem:s18+$0xFFFFFFE0]  }
0x29: {  	v2 =	vld [tilespmem:s17+$0xFFFFFFE0];
	_ =	sdelay $0x6  }
0x2a: {  	v3 =	vld.idx.msk [tilespmem:v1+s9+$0x0], $0xffff  }
0x2b: {  	v4 =	vld.idx.msk [tilespmem:v2+s9+$0x0], $0xffff;
	_ =	sdelay $0x3  }
0x2c: {  	[tilespmem:v2+s11+$0x0] =	vst.idx.add.f32.msk $0xffff, v3  }
0x2d: {  	[tilespmem:v1+s11+$0x0] =	vst.idx.add.f32.msk $0xffff, v4  }
0x2e: {  	v1 =	vld [tilespmem:s18+$0xFFFFFFF0]  }
0x2f: {  	v2 =	vld [tilespmem:s17+$0xFFFFFFF0];
	_ =	sdelay $0x6  }
0x30: {  	v3 =	vld.idx.msk [tilespmem:v1+s9+$0x0], $0xffff  }
0x31: {  	v4 =	vld.idx.msk [tilespmem:v2+s9+$0x0], $0xffff;
	_ =	sdelay $0x3  }
0x32: {  	[tilespmem:v2+s11+$0x0] =	vst.idx.add.f32.msk $0xffff, v3  }
0x33: {  	[tilespmem:v1+s11+$0x0] =	vst.idx.add.f32.msk $0xffff, v4  }
0x34: {  	v1 =	vld [tilespmem:s18+$0x0]  }
0x35: {  	v2 =	vld [tilespmem:s17+$0x0];
	_ =	sdelay $0x6  }
0x36: {  	v3 =	vld.idx.msk [tilespmem:v1+s9+$0x0], $0xffff  }
0x37: {  	v4 =	vld.idx.msk [tilespmem:v2+s9+$0x0], $0xffff;
	_ =	sdelay $0x3  }
0x38: {  	[tilespmem:v2+s11+$0x0] =	vst.idx.add.f32.msk $0xffff, v3  }
0x39: {  	[tilespmem:v1+s11+$0x0] =	vst.idx.add.f32.msk $0xffff, v4  }
0x3a: {  	v1 =	vld [tilespmem:s18+$0x10]  }
0x3b: {  	v2 =	vld [tilespmem:s17+$0x10];
	_ =	sdelay $0x6  }
0x3c: {  	v3 =	vld.idx.msk [tilespmem:v1+s9+$0x0], $0xffff  }
0x3d: {  	v4 =	vld.idx.msk [tilespmem:v2+s9+$0x0], $0xffff;
	_ =	sdelay $0x3  }
0x3e: {  	[tilespmem:v2+s11+$0x0] =	vst.idx.add.f32.msk $0xffff, v3  }
0x3f: {  	[tilespmem:v1+s11+$0x0] =	vst.idx.add.f32.msk $0xffff, v4  }
0x40: {  	v1 =	vld [tilespmem:s18+$0x20]  }
0x41: {  	v2 =	vld [tilespmem:s17+$0x20];
	_ =	sdelay $0x6  }
0x42: {  	s16 =	sadd.s32 $0x5, s16;
	v3 =	vld.idx.msk [tilespmem:v1+s9+$0x0], $0xffff  }
0x43: {  	p0 =	slt.u32 s16, $0x26C;
	v4 =	vld.idx.msk [tilespmem:v2+s9+$0x0], $0xffff  }
.Ltmp1:
0x44: {  	_ = 	snop;
	(pc) =	sbr.rel @p0 .LBB2_4-.Ltmp1, $3  }
0x45: {  	_ =	sdelay $0x1  }
0x46: {  	[tilespmem:v2+s11+$0x0] =	vst.idx.add.f32.msk $0xffff, v3  }
0x47: {  	s17 =	sadd.s32 $0x50, s17;
	s18 =	sadd.s32 $0x50, s18;
	[tilespmem:v1+s11+$0x0] =	vst.idx.add.f32.msk $0xffff, v4  }
0x48: {  	s15 =	sadd.s32 $0x1, s15  }
0x49: {  	p0 =	sne.s32 s15, s7  }
.Ltmp2:
0x4a: {  	_ = 	snop;
	(pc) =	sbr.rel @p0 .LBB2_1-.Ltmp2, $4  }
0x4b: {  	[hbm4b:s6+s12] =	stream.strided.scatter [tilespmem:s11], [sflag:$0x2], $0x2780, s13, s12, $0x38;
	[tilespmem:$0x9E00] =	vst v63  }
0x4c: {  	_ =	swait.ge [sflag:s14], $0x2780  }
0x4d: {  	[sflag:s14] =	ssyncset.done $0x0  }
0x4e: {  	[sflag:s14] =	ssyncadd.s32 $0xFFFFD880  }
0x4f: {  	_ =	sfence.sel $0x180000  }
0x50: {  	[bflag:$0x0] =	sbarrier.arrive $0xFFFF  }
0x51: {  	p0 =	sne.s32 s0, $0x0;
	_ =	strace $0x90000047  }
0x52: {  	s0 =	sadd.s32 @!p0 $0x100000, s1;
	[bflag:$0x2] =	sbarrier.arrive $0xFFFF  }
0x53: {  	[sflag:s0] =	ssyncadd.tile.s32 @!p0 $0x1;
	_ =	shalt  }
.Lfunc_end2:
_tile_overlayer_lowered:
.L_overlay_start_2:
0x54: {  	(tag) =	ssettag $0x2  }
0x55: {  	s0 =	rddreg [dreg:$0x0];
	s2 =	stileid.u32  }
0x56: {  	s1 =	rddreg [dreg:$0x1];
	p0 =	sne.s32 s2, $0x0  }
0x57: {  	s3 =	rddreg [dreg:$0x2];
	[bflag:$0x3] =	sbarrier.arrive $0xFFFF;
	s2 =	simm.s32 @!p0 $0x1C02  }
0x58: {  	[timem:s3], [sflag:s2] =	dma.local @!p0 [hbm:s0], s1  }
0x59: {  	s0 =	simm.s32 @!p0 $0x2  }
0x5a: {  	_ =	swait.ge @!p0 [sflag:s0], s1  }
0x5b: {  	s1 =	ssub.s32 @!p0 $0x0, s1;
	[sflag:s0] =	ssyncset.done @!p0 $0x0  }
0x5c: {  	[sflag:s0] =	ssyncadd.s32 @!p0 s1  }
0x5d: {  	[bflag:$0x3] =	sbarrier.arrive $0xFFFF  }
0x5e: {  	_ =	shalt  }

</sc_bundles>
